<compile_context>
chip_gen: v7x
topology: tpu7x:2x2x1
jax: 0.10.2.dev20260603
libtpu: 0.0.44.dev20260713+nightly
codegen_flags: <defaults>
</compile_context>

<pallas_src>
import functools

import jax
import jax.numpy as jnp
from jax import lax
from jax.experimental import pallas as pl
from jax.experimental.pallas import tpu as pltpu
from jax.experimental.pallas import tpu_sc as plsc

B, D, H, V = 4096, 1024, 2048, 1000
BB = 1024
NC, NS = 2, 16
NW = NC * NS
BPW = B // NW
L = 16


def _tc_body(x_ref, w1_ref, b1_ref, w2_ref, b2_ref, logits_ref, lse_ref,
             w1b_ref, w2b_ref):
    @pl.when(pl.program_id(0) == 0)
    def _cast_weights():
        w1b_ref[...] = w1_ref[...].astype(jnp.bfloat16)
        w2b_ref[...] = w2_ref[...].astype(jnp.bfloat16)

    x = x_ref[...].astype(jnp.bfloat16)
    h = jnp.maximum(
        jnp.dot(x, w1b_ref[...], preferred_element_type=jnp.float32) + b1_ref[...],
        0.0,
    ).astype(jnp.bfloat16)
    logits = jnp.dot(h, w2b_ref[...], preferred_element_type=jnp.float32) + b2_ref[...]
    cols = jax.lax.broadcasted_iota(jnp.int32, logits.shape, 1)
    lv = jnp.where(cols < V, logits, jnp.float32(-1e4))
    s = jnp.sum(jnp.exp(lv), axis=1, keepdims=True)
    logits_ref[...] = logits
    lse_ref[...] = jnp.log(s)


@functools.partial(
    pl.kernel,
    mesh=plsc.VectorSubcoreMesh(core_axis_name="c", subcore_axis_name="s"),
    out_type=jax.ShapeDtypeStruct((B,), jnp.float32),
    scratch_types=[
        pltpu.VMEM((BPW,), jnp.int32),
        pltpu.VMEM((BPW,), jnp.int32),
        pltpu.VMEM((BPW,), jnp.float32),
        pltpu.VMEM((BPW,), jnp.float32),
        pltpu.VMEM((BPW,), jnp.float32),
        pltpu.SemaphoreType.DMA,
    ],
)
def _sc_gather(logits_hbm, idx_hbm, lse_hbm, out_hbm,
               idx_v, fl_v, lse_v, g_v, o_v, sem):
    wid = lax.axis_index("s") * NC + lax.axis_index("c")
    base = wid * BPW
    pltpu.sync_copy(idx_hbm.at[pl.ds(base, BPW)], idx_v)
    pltpu.sync_copy(lse_hbm.at[pl.ds(base, BPW)], lse_v)
    for j in range(BPW // L):
        sl = pl.ds(j * L, L)
        rows = base + j * L + lax.iota(jnp.int32, L)
        fl_v[sl] = rows * V + idx_v[sl]
    pltpu.async_copy(logits_hbm.at[fl_v], g_v, sem).wait()
    for j in range(BPW // L):
        sl = pl.ds(j * L, L)
        o_v[sl] = g_v[sl] - lse_v[sl]
    pltpu.sync_copy(o_v, out_hbm.at[pl.ds(base, BPW)])


def kernel(state, true_samples, W1, b1, W2, b2):
    idx = true_samples.astype(jnp.int32).reshape(B)
    logits, lse = pl.pallas_call(
        _tc_body,
        grid=(B // BB,),
        in_specs=[
            pl.BlockSpec((BB, D), lambda i: (i, 0)),
            pl.BlockSpec((D, H), lambda i: (0, 0)),
            pl.BlockSpec((1, H), lambda i: (0, 0)),
            pl.BlockSpec((H, V), lambda i: (0, 0)),
            pl.BlockSpec((1, V), lambda i: (0, 0)),
        ],
        out_specs=[
            pl.BlockSpec((BB, V), lambda i: (i, 0)),
            pl.BlockSpec((BB, 1), lambda i: (i, 0)),
        ],
        out_shape=[
            jax.ShapeDtypeStruct((B, V), jnp.float32),
            jax.ShapeDtypeStruct((B, 1), jnp.float32),
        ],
        scratch_shapes=[
            pltpu.VMEM((D, H), jnp.bfloat16),
            pltpu.VMEM((H, V), jnp.bfloat16),
        ],
    )(state, W1, b1.reshape(1, H), W2, b2.reshape(1, V))
    g = _sc_gather(logits.reshape(B * V), idx, lse.reshape(B))
    return (true_samples, g.reshape(B, 1))

# --- scband reference (transcript-rebuilt; emitter-appended) ---
"""Pipeline reference for scband-autoreg-sampler-72086731096417 (READ-ONLY COPY).

The authoritative reference and input builder live on the scoring server;
editing this copy changes nothing except your own understanding.
"""

import jax, jax.numpy as jnp
import numpy as np

B, D, H, V = 4096, 1024, 2048, 1000

def setup_inputs(seed: int = 0) -> dict:
    key = jax.random.key(seed)
    ks = jax.random.split(key, 8)
    state = jax.random.normal(ks[0], (B, D), dtype=jnp.float32)
    true_samples = jax.random.randint(ks[1], (B, 1), 0, V, dtype=jnp.int64)
    # out_pred MLP params: Linear(D->H), ReLU, Linear(H->V)
    W1 = jax.random.normal(ks[2], (D, H), dtype=jnp.float32) * (1.0 / np.sqrt(D))
    b1 = jnp.zeros((H,), dtype=jnp.float32)
    W2 = jax.random.normal(ks[3], (H, V), dtype=jnp.float32) * (1.0 / np.sqrt(H))
    b2 = jnp.zeros((V,), dtype=jnp.float32)
    return {"state": state, "true_samples": true_samples, "W1": W1, "b1": b1, "W2": W2, "b2": b2}

def reference(state, true_samples, W1, b1, W2, b2):
    # out_pred MLP forward
    h = jnp.maximum(state @ W1 + b1, 0.0)
    logits = h @ W2 + b2
    cur_log_prob = jax.nn.log_softmax(logits, axis=-1)
    # true_samples branch of policy(): sampled = true_samples, baseline = None
    sampled = true_samples
    gathered_log_prob = jnp.take_along_axis(cur_log_prob, sampled, axis=1)
    return (sampled, gathered_log_prob)

if __name__ == "__main__":
    import jax
    _d = setup_inputs()
    print(jax.jit(kernel)(*tuple(_d.values())))

</pallas_src>

<mosaic_0001>
#map = affine_map<(d0, d1) -> (0)>
module attributes {stable_mosaic.version = 14 : i64} {
  func.func @_sc_gather(%arg0: i32, %arg1: i32, %arg2: memref<4096000xf32, #tpu.memory_space<hbm>>, %arg3: memref<4096xi32, #tpu.memory_space<hbm>>, %arg4: memref<4096xf32, #tpu.memory_space<hbm>>, %arg5: memref<4096xf32, #tpu.memory_space<hbm>>, %arg6: memref<128xi32, #tpu.memory_space<vmem>>, %arg7: memref<128xi32, #tpu.memory_space<vmem>>, %arg8: memref<128xf32, #tpu.memory_space<vmem>>, %arg9: memref<128xf32, #tpu.memory_space<vmem>>, %arg10: memref<128xf32, #tpu.memory_space<vmem>>, %arg11: memref<!tpu.dma_semaphore, #tpu.memory_space<semaphore_mem>>) attributes {dimension_semantics = [#tpu.dimension_semantics<core_parallel>, #tpu.dimension_semantics<subcore_parallel>], iteration_bounds = array<i64: 2, 16>, scalar_prefetch = 0 : i64, scratch_operands = 6 : i64, tpu.core_type = #tpu.core_type<sc_vector_subcore>, window_params = [{transform_indices = #map}, {transform_indices = #map}, {transform_indices = #map}, {transform_indices = #map}]} {
    %mul3A = arith.constant 2 : i32
    %mul3A_0 = arith.muli %arg1, %mul3A : i32
    %add3A = arith.addi %mul3A_0, %arg0 : i32
    %mul3A_1 = arith.constant 128 : i32
    %mul3A_2 = arith.muli %add3A, %mul3A_1 : i32
    "tpu.region"() ({
      %run_scoped3A = tpu.sem_alloc : memref<!tpu.dma_semaphore, #tpu.memory_space<semaphore_mem>>
      %dma_start3A_217 = tpu.memref_slice %arg3[%mul3A_2] : memref<4096xi32, #tpu.memory_space<hbm>> -> memref<128xi32, #tpu.memory_space<hbm>>
      %dma_start3A_218 = tpu.memref_slice %arg3[%mul3A_2] : memref<4096xi32, #tpu.memory_space<hbm>> -> memref<128xi32, #tpu.memory_space<hbm>>
      tpu.enqueue_dma source(%dma_start3A_218 : memref<128xi32, #tpu.memory_space<hbm>>) target(%arg6 : memref<128xi32, #tpu.memory_space<vmem>>) target_semaphore(%run_scoped3A : memref<!tpu.dma_semaphore, #tpu.memory_space<semaphore_mem>>)
      %dma_wait3A_219 = tpu.memref_slice %arg3[%mul3A_2] : memref<4096xi32, #tpu.memory_space<hbm>> -> memref<128xi32, #tpu.memory_space<hbm>>
      %dma_wait3A_220 = tpu.memref_slice %arg3[%mul3A_2] : memref<4096xi32, #tpu.memory_space<hbm>> -> memref<128xi32, #tpu.memory_space<hbm>>
      tpu.wait_dma2 semaphore(%run_scoped3A : memref<!tpu.dma_semaphore, #tpu.memory_space<semaphore_mem>>) src(%dma_wait3A_220 : memref<128xi32, #tpu.memory_space<hbm>>) dst(%arg6 : memref<128xi32, #tpu.memory_space<vmem>>)
      tpu.yield
    }) : () -> ()
    "tpu.region"() ({
      %run_scoped3A = tpu.sem_alloc : memref<!tpu.dma_semaphore, #tpu.memory_space<semaphore_mem>>
      %dma_start3A_217 = tpu.memref_slice %arg4[%mul3A_2] : memref<4096xf32, #tpu.memory_space<hbm>> -> memref<128xf32, #tpu.memory_space<hbm>>
      %dma_start3A_218 = tpu.memref_slice %arg4[%mul3A_2] : memref<4096xf32, #tpu.memory_space<hbm>> -> memref<128xf32, #tpu.memory_space<hbm>>
      tpu.enqueue_dma source(%dma_start3A_218 : memref<128xf32, #tpu.memory_space<hbm>>) target(%arg8 : memref<128xf32, #tpu.memory_space<vmem>>) target_semaphore(%run_scoped3A : memref<!tpu.dma_semaphore, #tpu.memory_space<semaphore_mem>>)
      %dma_wait3A_219 = tpu.memref_slice %arg4[%mul3A_2] : memref<4096xf32, #tpu.memory_space<hbm>> -> memref<128xf32, #tpu.memory_space<hbm>>
      %dma_wait3A_220 = tpu.memref_slice %arg4[%mul3A_2] : memref<4096xf32, #tpu.memory_space<hbm>> -> memref<128xf32, #tpu.memory_space<hbm>>
      tpu.wait_dma2 semaphore(%run_scoped3A : memref<!tpu.dma_semaphore, #tpu.memory_space<semaphore_mem>>) src(%dma_wait3A_220 : memref<128xf32, #tpu.memory_space<hbm>>) dst(%arg8 : memref<128xf32, #tpu.memory_space<vmem>>)
      tpu.yield
    }) : () -> ()
    %add3A_3 = arith.constant 0 : i32
    %add3A_4 = arith.addi %mul3A_2, %add3A_3 : i32
    %iota3A = tpu.iota {dimensions = array<i32: 0>} : vector<16xi32>
    %add3A_5 = vector.broadcast %add3A_4 : i32 to vector<16xi32>
    %add3A_6 = arith.addi %add3A_5, %iota3A : vector<16xi32>
    %mul3A_7 = arith.constant 1000 : i32
    %mul3A_8 = vector.broadcast %mul3A_7 : i32 to vector<16xi32>
    %mul3A_9 = arith.muli %add3A_6, %mul3A_8 : vector<16xi32>
    %get3A = arith.constant 0 : index
    %get3A_10 = tpu.vector_load %arg6[%get3A] {strides = array<i32>} : memref<128xi32, #tpu.memory_space<vmem>>, vector<16xi32>,
    %get3A_11 = vector.shape_cast %get3A_10 : vector<16xi32> to vector<16xi32>
    %add3A_12 = arith.addi %mul3A_9, %get3A_11 : vector<16xi32>
    %swap3A = arith.constant 0 : index
    %swap3A_13 = tpu.vector_load %arg7[%swap3A] {strides = array<i32>} : memref<128xi32, #tpu.memory_space<vmem>>, vector<16xi32>,
    %swap3A_14 = vector.shape_cast %swap3A_13 : vector<16xi32> to vector<16xi32>
    %swap3A_15 = vector.shape_cast %add3A_12 : vector<16xi32> to vector<16xi32>
    tpu.vector_store %arg7[%swap3A], %swap3A_15 {strides = array<i32>} : memref<128xi32, #tpu.memory_space<vmem>>, vector<16xi32>,
    %add3A_16 = arith.constant 16 : i32
    %add3A_17 = arith.addi %mul3A_2, %add3A_16 : i32
    %iota3A_18 = tpu.iota {dimensions = array<i32: 0>} : vector<16xi32>
    %add3A_19 = vector.broadcast %add3A_17 : i32 to vector<16xi32>
    %add3A_20 = arith.addi %add3A_19, %iota3A_18 : vector<16xi32>
    %mul3A_21 = arith.constant 1000 : i32
    %mul3A_22 = vector.broadcast %mul3A_21 : i32 to vector<16xi32>
    %mul3A_23 = arith.muli %add3A_20, %mul3A_22 : vector<16xi32>
    %get3A_24 = arith.constant 16 : index
    %get3A_25 = tpu.vector_load %arg6[%get3A_24] {strides = array<i32>} : memref<128xi32, #tpu.memory_space<vmem>>, vector<16xi32>,
    %get3A_26 = vector.shape_cast %get3A_25 : vector<16xi32> to vector<16xi32>
    %add3A_27 = arith.addi %mul3A_23, %get3A_26 : vector<16xi32>
    %swap3A_28 = arith.constant 16 : index
    %swap3A_29 = tpu.vector_load %arg7[%swap3A_28] {strides = array<i32>} : memref<128xi32, #tpu.memory_space<vmem>>, vector<16xi32>,
    %swap3A_30 = vector.shape_cast %swap3A_29 : vector<16xi32> to vector<16xi32>
    %swap3A_31 = vector.shape_cast %add3A_27 : vector<16xi32> to vector<16xi32>
    tpu.vector_store %arg7[%swap3A_28], %swap3A_31 {strides = array<i32>} : memref<128xi32, #tpu.memory_space<vmem>>, vector<16xi32>,
    %add3A_32 = arith.constant 32 : i32
    %add3A_33 = arith.addi %mul3A_2, %add3A_32 : i32
    %iota3A_34 = tpu.iota {dimensions = array<i32: 0>} : vector<16xi32>
    %add3A_35 = vector.broadcast %add3A_33 : i32 to vector<16xi32>
    %add3A_36 = arith.addi %add3A_35, %iota3A_34 : vector<16xi32>
    %mul3A_37 = arith.constant 1000 : i32
    %mul3A_38 = vector.broadcast %mul3A_37 : i32 to vector<16xi32>
    %mul3A_39 = arith.muli %add3A_36, %mul3A_38 : vector<16xi32>
    %get3A_40 = arith.constant 32 : index
    %get3A_41 = tpu.vector_load %arg6[%get3A_40] {strides = array<i32>} : memref<128xi32, #tpu.memory_space<vmem>>, vector<16xi32>,
    %get3A_42 = vector.shape_cast %get3A_41 : vector<16xi32> to vector<16xi32>
    %add3A_43 = arith.addi %mul3A_39, %get3A_42 : vector<16xi32>
    %swap3A_44 = arith.constant 32 : index
    %swap3A_45 = tpu.vector_load %arg7[%swap3A_44] {strides = array<i32>} : memref<128xi32, #tpu.memory_space<vmem>>, vector<16xi32>,
    %swap3A_46 = vector.shape_cast %swap3A_45 : vector<16xi32> to vector<16xi32>
    %swap3A_47 = vector.shape_cast %add3A_43 : vector<16xi32> to vector<16xi32>
    tpu.vector_store %arg7[%swap3A_44], %swap3A_47 {strides = array<i32>} : memref<128xi32, #tpu.memory_space<vmem>>, vector<16xi32>,
    %add3A_48 = arith.constant 48 : i32
    %add3A_49 = arith.addi %mul3A_2, %add3A_48 : i32
    %iota3A_50 = tpu.iota {dimensions = array<i32: 0>} : vector<16xi32>
    %add3A_51 = vector.broadcast %add3A_49 : i32 to vector<16xi32>
    %add3A_52 = arith.addi %add3A_51, %iota3A_50 : vector<16xi32>
    %mul3A_53 = arith.constant 1000 : i32
    %mul3A_54 = vector.broadcast %mul3A_53 : i32 to vector<16xi32>
    %mul3A_55 = arith.muli %add3A_52, %mul3A_54 : vector<16xi32>
    %get3A_56 = arith.constant 48 : index
    %get3A_57 = tpu.vector_load %arg6[%get3A_56] {strides = array<i32>} : memref<128xi32, #tpu.memory_space<vmem>>, vector<16xi32>,
    %get3A_58 = vector.shape_cast %get3A_57 : vector<16xi32> to vector<16xi32>
    %add3A_59 = arith.addi %mul3A_55, %get3A_58 : vector<16xi32>
    %swap3A_60 = arith.constant 48 : index
    %swap3A_61 = tpu.vector_load %arg7[%swap3A_60] {strides = array<i32>} : memref<128xi32, #tpu.memory_space<vmem>>, vector<16xi32>,
    %swap3A_62 = vector.shape_cast %swap3A_61 : vector<16xi32> to vector<16xi32>
    %swap3A_63 = vector.shape_cast %add3A_59 : vector<16xi32> to vector<16xi32>
    tpu.vector_store %arg7[%swap3A_60], %swap3A_63 {strides = array<i32>} : memref<128xi32, #tpu.memory_space<vmem>>, vector<16xi32>,
    %add3A_64 = arith.constant 64 : i32
    %add3A_65 = arith.addi %mul3A_2, %add3A_64 : i32
    %iota3A_66 = tpu.iota {dimensions = array<i32: 0>} : vector<16xi32>
    %add3A_67 = vector.broadcast %add3A_65 : i32 to vector<16xi32>
    %add3A_68 = arith.addi %add3A_67, %iota3A_66 : vector<16xi32>
    %mul3A_69 = arith.constant 1000 : i32
    %mul3A_70 = vector.broadcast %mul3A_69 : i32 to vector<16xi32>
    %mul3A_71 = arith.muli %add3A_68, %mul3A_70 : vector<16xi32>
    %get3A_72 = arith.constant 64 : index
    %get3A_73 = tpu.vector_load %arg6[%get3A_72] {strides = array<i32>} : memref<128xi32, #tpu.memory_space<vmem>>, vector<16xi32>,
    %get3A_74 = vector.shape_cast %get3A_73 : vector<16xi32> to vector<16xi32>
    %add3A_75 = arith.addi %mul3A_71, %get3A_74 : vector<16xi32>
    %swap3A_76 = arith.constant 64 : index
    %swap3A_77 = tpu.vector_load %arg7[%swap3A_76] {strides = array<i32>} : memref<128xi32, #tpu.memory_space<vmem>>, vector<16xi32>,
    %swap3A_78 = vector.shape_cast %swap3A_77 : vector<16xi32> to vector<16xi32>
    %swap3A_79 = vector.shape_cast %add3A_75 : vector<16xi32> to vector<16xi32>
    tpu.vector_store %arg7[%swap3A_76], %swap3A_79 {strides = array<i32>} : memref<128xi32, #tpu.memory_space<vmem>>, vector<16xi32>,
    %add3A_80 = arith.constant 80 : i32
    %add3A_81 = arith.addi %mul3A_2, %add3A_80 : i32
    %iota3A_82 = tpu.iota {dimensions = array<i32: 0>} : vector<16xi32>
    %add3A_83 = vector.broadcast %add3A_81 : i32 to vector<16xi32>
    %add3A_84 = arith.addi %add3A_83, %iota3A_82 : vector<16xi32>
    %mul3A_85 = arith.constant 1000 : i32
    %mul3A_86 = vector.broadcast %mul3A_85 : i32 to vector<16xi32>
    %mul3A_87 = arith.muli %add3A_84, %mul3A_86 : vector<16xi32>
    %get3A_88 = arith.constant 80 : index
    %get3A_89 = tpu.vector_load %arg6[%get3A_88] {strides = array<i32>} : memref<128xi32, #tpu.memory_space<vmem>>, vector<16xi32>,
    %get3A_90 = vector.shape_cast %get3A_89 : vector<16xi32> to vector<16xi32>
    %add3A_91 = arith.addi %mul3A_87, %get3A_90 : vector<16xi32>
    %swap3A_92 = arith.constant 80 : index
    %swap3A_93 = tpu.vector_load %arg7[%swap3A_92] {strides = array<i32>} : memref<128xi32, #tpu.memory_space<vmem>>, vector<16xi32>,
    %swap3A_94 = vector.shape_cast %swap3A_93 : vector<16xi32> to vector<16xi32>
    %swap3A_95 = vector.shape_cast %add3A_91 : vector<16xi32> to vector<16xi32>
    tpu.vector_store %arg7[%swap3A_92], %swap3A_95 {strides = array<i32>} : memref<128xi32, #tpu.memory_space<vmem>>, vector<16xi32>,
    %add3A_96 = arith.constant 96 : i32
    %add3A_97 = arith.addi %mul3A_2, %add3A_96 : i32
    %iota3A_98 = tpu.iota {dimensions = array<i32: 0>} : vector<16xi32>
    %add3A_99 = vector.broadcast %add3A_97 : i32 to vector<16xi32>
    %add3A_100 = arith.addi %add3A_99, %iota3A_98 : vector<16xi32>
    %mul3A_101 = arith.constant 1000 : i32
    %mul3A_102 = vector.broadcast %mul3A_101 : i32 to vector<16xi32>
    %mul3A_103 = arith.muli %add3A_100, %mul3A_102 : vector<16xi32>
    %get3A_104 = arith.constant 96 : index
    %get3A_105 = tpu.vector_load %arg6[%get3A_104] {strides = array<i32>} : memref<128xi32, #tpu.memory_space<vmem>>, vector<16xi32>,
    %get3A_106 = vector.shape_cast %get3A_105 : vector<16xi32> to vector<16xi32>
    %add3A_107 = arith.addi %mul3A_103, %get3A_106 : vector<16xi32>
    %swap3A_108 = arith.constant 96 : index
    %swap3A_109 = tpu.vector_load %arg7[%swap3A_108] {strides = array<i32>} : memref<128xi32, #tpu.memory_space<vmem>>, vector<16xi32>,
    %swap3A_110 = vector.shape_cast %swap3A_109 : vector<16xi32> to vector<16xi32>
    %swap3A_111 = vector.shape_cast %add3A_107 : vector<16xi32> to vector<16xi32>
    tpu.vector_store %arg7[%swap3A_108], %swap3A_111 {strides = array<i32>} : memref<128xi32, #tpu.memory_space<vmem>>, vector<16xi32>,
    %add3A_112 = arith.constant 112 : i32
    %add3A_113 = arith.addi %mul3A_2, %add3A_112 : i32
    %iota3A_114 = tpu.iota {dimensions = array<i32: 0>} : vector<16xi32>
    %add3A_115 = vector.broadcast %add3A_113 : i32 to vector<16xi32>
    %add3A_116 = arith.addi %add3A_115, %iota3A_114 : vector<16xi32>
    %mul3A_117 = arith.constant 1000 : i32
    %mul3A_118 = vector.broadcast %mul3A_117 : i32 to vector<16xi32>
    %mul3A_119 = arith.muli %add3A_116, %mul3A_118 : vector<16xi32>
    %get3A_120 = arith.constant 112 : index
    %get3A_121 = tpu.vector_load %arg6[%get3A_120] {strides = array<i32>} : memref<128xi32, #tpu.memory_space<vmem>>, vector<16xi32>,
    %get3A_122 = vector.shape_cast %get3A_121 : vector<16xi32> to vector<16xi32>
    %add3A_123 = arith.addi %mul3A_119, %get3A_122 : vector<16xi32>
    %swap3A_124 = arith.constant 112 : index
    %swap3A_125 = tpu.vector_load %arg7[%swap3A_124] {strides = array<i32>} : memref<128xi32, #tpu.memory_space<vmem>>, vector<16xi32>,
    %swap3A_126 = vector.shape_cast %swap3A_125 : vector<16xi32> to vector<16xi32>
    %swap3A_127 = vector.shape_cast %add3A_123 : vector<16xi32> to vector<16xi32>
    tpu.vector_store %arg7[%swap3A_124], %swap3A_127 {strides = array<i32>} : memref<128xi32, #tpu.memory_space<vmem>>, vector<16xi32>,
    %dma_start3A = arith.constant 0 : i32
    %dma_start3A_128 = tpu.memref_slice %arg2[%dma_start3A] : memref<4096000xf32, #tpu.memory_space<hbm>> -> memref<4096000xf32, #tpu.memory_space<hbm>>
    tpu.enqueue_indirect_dma source(%dma_start3A_128 : memref<4096000xf32, #tpu.memory_space<hbm>>) target(%arg9 : memref<128xf32, #tpu.memory_space<vmem>>) offsets(%arg7 : memref<128xi32, #tpu.memory_space<vmem>>) semaphore(%arg11 : memref<!tpu.dma_semaphore, #tpu.memory_space<semaphore_mem>>)
    %dma_wait3A = arith.constant 0 : i32
    %dma_wait3A_129 = tpu.memref_slice %arg2[%dma_wait3A] : memref<4096000xf32, #tpu.memory_space<hbm>> -> memref<4096000xf32, #tpu.memory_space<hbm>>
    tpu.wait_indirect_dma semaphore(%arg11 : memref<!tpu.dma_semaphore, #tpu.memory_space<semaphore_mem>>) src(%dma_wait3A_129 : memref<4096000xf32, #tpu.memory_space<hbm>>) dst(%arg9 : memref<128xf32, #tpu.memory_space<vmem>>)
    %get3A_130 = arith.constant 0 : index
    %get3A_131 = tpu.vector_load %arg9[%get3A_130] {strides = array<i32>} : memref<128xf32, #tpu.memory_space<vmem>>, vector<16xf32>,
    %get3A_132 = vector.shape_cast %get3A_131 : vector<16xf32> to vector<16xf32>
    %get3A_133 = arith.constant 0 : index
    %get3A_134 = tpu.vector_load %arg8[%get3A_133] {strides = array<i32>} : memref<128xf32, #tpu.memory_space<vmem>>, vector<16xf32>,
    %get3A_135 = vector.shape_cast %get3A_134 : vector<16xf32> to vector<16xf32>
    %sub3A = arith.subf %get3A_132, %get3A_135 : vector<16xf32>
    %swap3A_136 = arith.constant 0 : index
    %swap3A_137 = tpu.vector_load %arg10[%swap3A_136] {strides = array<i32>} : memref<128xf32, #tpu.memory_space<vmem>>, vector<16xf32>,
    %swap3A_138 = vector.shape_cast %swap3A_137 : vector<16xf32> to vector<16xf32>
    %swap3A_139 = vector.shape_cast %sub3A : vector<16xf32> to vector<16xf32>
    tpu.vector_store %arg10[%swap3A_136], %swap3A_139 {strides = array<i32>} : memref<128xf32, #tpu.memory_space<vmem>>, vector<16xf32>,
    %get3A_140 = arith.constant 16 : index
    %get3A_141 = tpu.vector_load %arg9[%get3A_140] {strides = array<i32>} : memref<128xf32, #tpu.memory_space<vmem>>, vector<16xf32>,
    %get3A_142 = vector.shape_cast %get3A_141 : vector<16xf32> to vector<16xf32>
    %get3A_143 = arith.constant 16 : index
    %get3A_144 = tpu.vector_load %arg8[%get3A_143] {strides = array<i32>} : memref<128xf32, #tpu.memory_space<vmem>>, vector<16xf32>,
    %get3A_145 = vector.shape_cast %get3A_144 : vector<16xf32> to vector<16xf32>
    %sub3A_146 = arith.subf %get3A_142, %get3A_145 : vector<16xf32>
    %swap3A_147 = arith.constant 16 : index
    %swap3A_148 = tpu.vector_load %arg10[%swap3A_147] {strides = array<i32>} : memref<128xf32, #tpu.memory_space<vmem>>, vector<16xf32>,
    %swap3A_149 = vector.shape_cast %swap3A_148 : vector<16xf32> to vector<16xf32>
    %swap3A_150 = vector.shape_cast %sub3A_146 : vector<16xf32> to vector<16xf32>
    tpu.vector_store %arg10[%swap3A_147], %swap3A_150 {strides = array<i32>} : memref<128xf32, #tpu.memory_space<vmem>>, vector<16xf32>,
    %get3A_151 = arith.constant 32 : index
    %get3A_152 = tpu.vector_load %arg9[%get3A_151] {strides = array<i32>} : memref<128xf32, #tpu.memory_space<vmem>>, vector<16xf32>,
    %get3A_153 = vector.shape_cast %get3A_152 : vector<16xf32> to vector<16xf32>
    %get3A_154 = arith.constant 32 : index
    %get3A_155 = tpu.vector_load %arg8[%get3A_154] {strides = array<i32>} : memref<128xf32, #tpu.memory_space<vmem>>, vector<16xf32>,
    %get3A_156 = vector.shape_cast %get3A_155 : vector<16xf32> to vector<16xf32>
    %sub3A_157 = arith.subf %get3A_153, %get3A_156 : vector<16xf32>
    %swap3A_158 = arith.constant 32 : index
    %swap3A_159 = tpu.vector_load %arg10[%swap3A_158] {strides = array<i32>} : memref<128xf32, #tpu.memory_space<vmem>>, vector<16xf32>,
    %swap3A_160 = vector.shape_cast %swap3A_159 : vector<16xf32> to vector<16xf32>
    %swap3A_161 = vector.shape_cast %sub3A_157 : vector<16xf32> to vector<16xf32>
    tpu.vector_store %arg10[%swap3A_158], %swap3A_161 {strides = array<i32>} : memref<128xf32, #tpu.memory_space<vmem>>, vector<16xf32>,
    %get3A_162 = arith.constant 48 : index
    %get3A_163 = tpu.vector_load %arg9[%get3A_162] {strides = array<i32>} : memref<128xf32, #tpu.memory_space<vmem>>, vector<16xf32>,
    %get3A_164 = vector.shape_cast %get3A_163 : vector<16xf32> to vector<16xf32>
    %get3A_165 = arith.constant 48 : index
    %get3A_166 = tpu.vector_load %arg8[%get3A_165] {strides = array<i32>} : memref<128xf32, #tpu.memory_space<vmem>>, vector<16xf32>,
    %get3A_167 = vector.shape_cast %get3A_166 : vector<16xf32> to vector<16xf32>
    %sub3A_168 = arith.subf %get3A_164, %get3A_167 : vector<16xf32>
    %swap3A_169 = arith.constant 48 : index
    %swap3A_170 = tpu.vector_load %arg10[%swap3A_169] {strides = array<i32>} : memref<128xf32, #tpu.memory_space<vmem>>, vector<16xf32>,
    %swap3A_171 = vector.shape_cast %swap3A_170 : vector<16xf32> to vector<16xf32>
    %swap3A_172 = vector.shape_cast %sub3A_168 : vector<16xf32> to vector<16xf32>
    tpu.vector_store %arg10[%swap3A_169], %swap3A_172 {strides = array<i32>} : memref<128xf32, #tpu.memory_space<vmem>>, vector<16xf32>,
    %get3A_173 = arith.constant 64 : index
    %get3A_174 = tpu.vector_load %arg9[%get3A_173] {strides = array<i32>} : memref<128xf32, #tpu.memory_space<vmem>>, vector<16xf32>,
    %get3A_175 = vector.shape_cast %get3A_174 : vector<16xf32> to vector<16xf32>
    %get3A_176 = arith.constant 64 : index
    %get3A_177 = tpu.vector_load %arg8[%get3A_176] {strides = array<i32>} : memref<128xf32, #tpu.memory_space<vmem>>, vector<16xf32>,
    %get3A_178 = vector.shape_cast %get3A_177 : vector<16xf32> to vector<16xf32>
    %sub3A_179 = arith.subf %get3A_175, %get3A_178 : vector<16xf32>
    %swap3A_180 = arith.constant 64 : index
    %swap3A_181 = tpu.vector_load %arg10[%swap3A_180] {strides = array<i32>} : memref<128xf32, #tpu.memory_space<vmem>>, vector<16xf32>,
    %swap3A_182 = vector.shape_cast %swap3A_181 : vector<16xf32> to vector<16xf32>
    %swap3A_183 = vector.shape_cast %sub3A_179 : vector<16xf32> to vector<16xf32>
    tpu.vector_store %arg10[%swap3A_180], %swap3A_183 {strides = array<i32>} : memref<128xf32, #tpu.memory_space<vmem>>, vector<16xf32>,
    %get3A_184 = arith.constant 80 : index
    %get3A_185 = tpu.vector_load %arg9[%get3A_184] {strides = array<i32>} : memref<128xf32, #tpu.memory_space<vmem>>, vector<16xf32>,
    %get3A_186 = vector.shape_cast %get3A_185 : vector<16xf32> to vector<16xf32>
    %get3A_187 = arith.constant 80 : index
    %get3A_188 = tpu.vector_load %arg8[%get3A_187] {strides = array<i32>} : memref<128xf32, #tpu.memory_space<vmem>>, vector<16xf32>,
    %get3A_189 = vector.shape_cast %get3A_188 : vector<16xf32> to vector<16xf32>
    %sub3A_190 = arith.subf %get3A_186, %get3A_189 : vector<16xf32>
    %swap3A_191 = arith.constant 80 : index
    %swap3A_192 = tpu.vector_load %arg10[%swap3A_191] {strides = array<i32>} : memref<128xf32, #tpu.memory_space<vmem>>, vector<16xf32>,
    %swap3A_193 = vector.shape_cast %swap3A_192 : vector<16xf32> to vector<16xf32>
    %swap3A_194 = vector.shape_cast %sub3A_190 : vector<16xf32> to vector<16xf32>
    tpu.vector_store %arg10[%swap3A_191], %swap3A_194 {strides = array<i32>} : memref<128xf32, #tpu.memory_space<vmem>>, vector<16xf32>,
    %get3A_195 = arith.constant 96 : index
    %get3A_196 = tpu.vector_load %arg9[%get3A_195] {strides = array<i32>} : memref<128xf32, #tpu.memory_space<vmem>>, vector<16xf32>,
    %get3A_197 = vector.shape_cast %get3A_196 : vector<16xf32> to vector<16xf32>
    %get3A_198 = arith.constant 96 : index
    %get3A_199 = tpu.vector_load %arg8[%get3A_198] {strides = array<i32>} : memref<128xf32, #tpu.memory_space<vmem>>, vector<16xf32>,
    %get3A_200 = vector.shape_cast %get3A_199 : vector<16xf32> to vector<16xf32>
    %sub3A_201 = arith.subf %get3A_197, %get3A_200 : vector<16xf32>
    %swap3A_202 = arith.constant 96 : index
    %swap3A_203 = tpu.vector_load %arg10[%swap3A_202] {strides = array<i32>} : memref<128xf32, #tpu.memory_space<vmem>>, vector<16xf32>,
    %swap3A_204 = vector.shape_cast %swap3A_203 : vector<16xf32> to vector<16xf32>
    %swap3A_205 = vector.shape_cast %sub3A_201 : vector<16xf32> to vector<16xf32>
    tpu.vector_store %arg10[%swap3A_202], %swap3A_205 {strides = array<i32>} : memref<128xf32, #tpu.memory_space<vmem>>, vector<16xf32>,
    %get3A_206 = arith.constant 112 : index
    %get3A_207 = tpu.vector_load %arg9[%get3A_206] {strides = array<i32>} : memref<128xf32, #tpu.memory_space<vmem>>, vector<16xf32>,
    %get3A_208 = vector.shape_cast %get3A_207 : vector<16xf32> to vector<16xf32>
    %get3A_209 = arith.constant 112 : index
    %get3A_210 = tpu.vector_load %arg8[%get3A_209] {strides = array<i32>} : memref<128xf32, #tpu.memory_space<vmem>>, vector<16xf32>,
    %get3A_211 = vector.shape_cast %get3A_210 : vector<16xf32> to vector<16xf32>
    %sub3A_212 = arith.subf %get3A_208, %get3A_211 : vector<16xf32>
    %swap3A_213 = arith.constant 112 : index
    %swap3A_214 = tpu.vector_load %arg10[%swap3A_213] {strides = array<i32>} : memref<128xf32, #tpu.memory_space<vmem>>, vector<16xf32>,
    %swap3A_215 = vector.shape_cast %swap3A_214 : vector<16xf32> to vector<16xf32>
    %swap3A_216 = vector.shape_cast %sub3A_212 : vector<16xf32> to vector<16xf32>
    tpu.vector_store %arg10[%swap3A_213], %swap3A_216 {strides = array<i32>} : memref<128xf32, #tpu.memory_space<vmem>>, vector<16xf32>,
    "tpu.region"() ({
      %run_scoped3A = tpu.sem_alloc : memref<!tpu.dma_semaphore, #tpu.memory_space<semaphore_mem>>
      %dma_start3A_217 = tpu.memref_slice %arg5[%mul3A_2] : memref<4096xf32, #tpu.memory_space<hbm>> -> memref<128xf32, #tpu.memory_space<hbm>>
      %dma_start3A_218 = tpu.memref_slice %arg5[%mul3A_2] : memref<4096xf32, #tpu.memory_space<hbm>> -> memref<128xf32, #tpu.memory_space<hbm>>
      tpu.enqueue_dma source(%arg10 : memref<128xf32, #tpu.memory_space<vmem>>) target(%dma_start3A_218 : memref<128xf32, #tpu.memory_space<hbm>>) target_semaphore(%run_scoped3A : memref<!tpu.dma_semaphore, #tpu.memory_space<semaphore_mem>>)
      %dma_wait3A_219 = tpu.memref_slice %arg5[%mul3A_2] : memref<4096xf32, #tpu.memory_space<hbm>> -> memref<128xf32, #tpu.memory_space<hbm>>
      %dma_wait3A_220 = tpu.memref_slice %arg5[%mul3A_2] : memref<4096xf32, #tpu.memory_space<hbm>> -> memref<128xf32, #tpu.memory_space<hbm>>
      tpu.wait_dma2 semaphore(%run_scoped3A : memref<!tpu.dma_semaphore, #tpu.memory_space<semaphore_mem>>) src(%arg10 : memref<128xf32, #tpu.memory_space<vmem>>) dst(%dma_wait3A_220 : memref<128xf32, #tpu.memory_space<hbm>>)
      tpu.yield
    }) : () -> ()
    return
  }
}

module attributes {stable_mosaic.version = 14 : i64} {
  func.func @_tc_body(%arg0: i32, %arg1: memref<1024x1024xf32, #tpu.memory_space<vmem>>, %arg2: memref<1024x2048xf32, #tpu.memory_space<vmem>>, %arg3: memref<1x2048xf32, #tpu.memory_space<vmem>>, %arg4: memref<2048x1000xf32, #tpu.memory_space<vmem>>, %arg5: memref<1x1000xf32, #tpu.memory_space<vmem>>, %arg6: memref<1024x1000xf32, #tpu.memory_space<vmem>>, %arg7: memref<1024x1xf32, #tpu.memory_space<vmem>>, %arg8: memref<1024x2048xbf16, #tpu.memory_space<vmem>>, %arg9: memref<2048x1000xbf16, #tpu.memory_space<vmem>>) attributes {dimension_semantics = [#tpu.dimension_semantics<arbitrary>], iteration_bounds = array<i64: 4>, scalar_prefetch = 0 : i64, scratch_operands = 2 : i64, tpu.core_type = #tpu.core_type<tc>, window_params = [{transform_indices = @transform_0, window_bounds = array<i64: 1024, 1024>}, {pipeline_mode = #tpu.pipeline_mode<synchronous>, transform_indices = @transform_1, window_bounds = array<i64: 1024, 2048>}, {pipeline_mode = #tpu.pipeline_mode<synchronous>, transform_indices = @transform_2, window_bounds = array<i64: 1, 2048>}, {pipeline_mode = #tpu.pipeline_mode<synchronous>, transform_indices = @transform_3, window_bounds = array<i64: 2048, 1000>}, {pipeline_mode = #tpu.pipeline_mode<synchronous>, transform_indices = @transform_4, window_bounds = array<i64: 1, 1000>}, {transform_indices = @transform_5, window_bounds = array<i64: 1024, 1000>}, {transform_indices = @transform_6, window_bounds = array<i64: 1024, 1>}]} {
    %eq3A = arith.constant 0 : i32
    %eq3A_0 = arith.cmpi eq, %arg0, %eq3A : i32
    %convert_element_type3A = arith.extui %eq3A_0 : i1 to i32
    %cond3A = arith.constant 0 : i32
    %cond3A_1 = arith.cmpi ne, %convert_element_type3A, %cond3A : i32
    scf.if %cond3A_1 {
      %get3A_35 = arith.constant 0 : index
      %get3A_36 = arith.constant 0 : index
      %get3A_37 = vector.load %arg2[%get3A_35, %get3A_36] : memref<1024x2048xf32, #tpu.memory_space<vmem>>, vector<1024x2048xf32>
      %convert_element_type3A_38 = arith.truncf %get3A_37 : vector<1024x2048xf32> to vector<1024x2048xbf16>
      %swap3A_39 = arith.constant 0 : index
      %swap3A_40 = arith.constant 0 : index
      %swap3A_41 = vector.load %arg8[%swap3A_39, %swap3A_40] : memref<1024x2048xbf16, #tpu.memory_space<vmem>>, vector<1024x2048xbf16>
      tpu.vector_store %arg8[%swap3A_39, %swap3A_40], %convert_element_type3A_38 {strides = array<i32>} : memref<1024x2048xbf16, #tpu.memory_space<vmem>>, vector<1024x2048xbf16>,
      %get3A_42 = arith.constant 0 : index
      %get3A_43 = arith.constant 0 : index
      %get3A_44 = vector.load %arg4[%get3A_42, %get3A_43] : memref<2048x1000xf32, #tpu.memory_space<vmem>>, vector<2048x1000xf32>
      %convert_element_type3A_45 = arith.truncf %get3A_44 : vector<2048x1000xf32> to vector<2048x1000xbf16>
      %swap3A_46 = arith.constant 0 : index
      %swap3A_47 = arith.constant 0 : index
      %swap3A_48 = vector.load %arg9[%swap3A_46, %swap3A_47] : memref<2048x1000xbf16, #tpu.memory_space<vmem>>, vector<2048x1000xbf16>
      tpu.vector_store %arg9[%swap3A_46, %swap3A_47], %convert_element_type3A_45 {strides = array<i32>} : memref<2048x1000xbf16, #tpu.memory_space<vmem>>, vector<2048x1000xbf16>,
    } else {
    }
    %get3A = arith.constant 0 : index
    %get3A_2 = arith.constant 0 : index
    %get3A_3 = vector.load %arg1[%get3A, %get3A_2] : memref<1024x1024xf32, #tpu.memory_space<vmem>>, vector<1024x1024xf32>
    %convert_element_type3A_4 = arith.truncf %get3A_3 : vector<1024x1024xf32> to vector<1024x1024xbf16>
    %get3A_5 = arith.constant 0 : index
    %get3A_6 = arith.constant 0 : index
    %get3A_7 = vector.load %arg8[%get3A_5, %get3A_6] : memref<1024x2048xbf16, #tpu.memory_space<vmem>>, vector<1024x2048xbf16>
    %dot_general3A = arith.constant dense<0.000000e+00> : vector<1024x2048xf32>
    %dot_general3A_8 = tpu.matmul %convert_element_type3A_4, %get3A_7, %dot_general3A {dimension_numbers = #tpu.dot_dimension_numbers<[1], [0], [0], [1], [0, 0, 1, 1], [], []>, transpose_lhs_hint = false} : vector<1024x1024xbf16>, vector<1024x2048xbf16>, vector<1024x2048xf32> -> vector<1024x2048xf32>
    %get3A_9 = arith.constant 0 : index
    %get3A_10 = arith.constant 0 : index
    %get3A_11 = vector.load %arg3[%get3A_9, %get3A_10] : memref<1x2048xf32, #tpu.memory_space<vmem>>, vector<1x2048xf32>
    %add3A = vector.broadcast %get3A_11 : vector<1x2048xf32> to vector<1024x2048xf32>
    %add3A_12 = arith.addf %dot_general3A_8, %add3A : vector<1024x2048xf32>
    %max3A = arith.constant 0.000000e+00 : f32
    %max3A_13 = vector.broadcast %max3A : f32 to vector<1024x2048xf32>
    %max3A_14 = arith.maximumf %add3A_12, %max3A_13 : vector<1024x2048xf32>
    %convert_element_type3A_15 = arith.truncf %max3A_14 : vector<1024x2048xf32> to vector<1024x2048xbf16>
    %get3A_16 = arith.constant 0 : index
    %get3A_17 = arith.constant 0 : index
    %get3A_18 = vector.load %arg9[%get3A_16, %get3A_17] : memref<2048x1000xbf16, #tpu.memory_space<vmem>>, vector<2048x1000xbf16>
    %dot_general3A_19 = arith.constant dense<0.000000e+00> : vector<1024x1000xf32>
    %dot_general3A_20 = tpu.matmul %convert_element_type3A_15, %get3A_18, %dot_general3A_19 {dimension_numbers = #tpu.dot_dimension_numbers<[1], [0], [0], [1], [0, 0, 1, 1], [], []>, transpose_lhs_hint = false} : vector<1024x2048xbf16>, vector<2048x1000xbf16>, vector<1024x1000xf32> -> vector<1024x1000xf32>
    %get3A_21 = arith.constant 0 : index
    %get3A_22 = arith.constant 0 : index
    %get3A_23 = vector.load %arg5[%get3A_21, %get3A_22] : memref<1x1000xf32, #tpu.memory_space<vmem>>, vector<1x1000xf32>
    %add3A_24 = vector.broadcast %get3A_23 : vector<1x1000xf32> to vector<1024x1000xf32>
    %add3A_25 = arith.addf %dot_general3A_20, %add3A_24 : vector<1024x1000xf32>
    %iota3A = tpu.iota {dimensions = array<i32: 1>} : vector<1024x1000xi32>
    %lt3A = arith.constant 1000 : i32
    %lt3A_26 = vector.broadcast %lt3A : i32 to vector<1024x1000xi32>
    %lt3A_27 = arith.cmpi slt, %iota3A, %lt3A_26 : vector<1024x1000xi32>
    %jit3A = arith.constant -1.000000e+04 : f32
    %broadcast_in_dim3A = vector.broadcast %jit3A : f32 to vector<1024x1000xf32>
    %select_n3A = arith.select %lt3A_27, %add3A_25, %broadcast_in_dim3A : vector<1024x1000xi1>, vector<1024x1000xf32>
    %exp3A = math.exp %select_n3A : vector<1024x1000xf32>
    %reduce_sum3A = arith.constant dense<0.000000e+00> : vector<1024xf32>
    %reduce_sum3A_28 = vector.multi_reduction <add>, %exp3A, %reduce_sum3A [1] : vector<1024x1000xf32> to vector<1024xf32>
    %broadcast_in_dim3A_29 = vector.shape_cast %reduce_sum3A_28 : vector<1024xf32> to vector<1024x1xf32>
    %swap3A = arith.constant 0 : index
    %swap3A_30 = arith.constant 0 : index
    %swap3A_31 = vector.load %arg6[%swap3A, %swap3A_30] : memref<1024x1000xf32, #tpu.memory_space<vmem>>, vector<1024x1000xf32>
    tpu.vector_store %arg6[%swap3A, %swap3A_30], %add3A_25 {strides = array<i32>} : memref<1024x1000xf32, #tpu.memory_space<vmem>>, vector<1024x1000xf32>,
    %log3A = math.log %broadcast_in_dim3A_29 : vector<1024x1xf32>
    %swap3A_32 = arith.constant 0 : index
    %swap3A_33 = arith.constant 0 : index
    %swap3A_34 = vector.load %arg7[%swap3A_32, %swap3A_33] : memref<1024x1xf32, #tpu.memory_space<vmem>>, vector<1024x1xf32>
    tpu.vector_store %arg7[%swap3A_32, %swap3A_33], %log3A {strides = array<i32>} : memref<1024x1xf32, #tpu.memory_space<vmem>>, vector<1024x1xf32>,
    return
  }
  func.func @transform_0(%arg0: i32) -> (i32, i32) {
    %c0_i32 = arith.constant 0 : i32
    %c0_i32_0 = arith.constant 0 : i32
    return %arg0, %c0_i32 : i32, i32
  }
  func.func @transform_1(%arg0: i32) -> (i32, i32) {
    %c0_i32 = arith.constant 0 : i32
    %c0_i32_0 = arith.constant 0 : i32
    %c0_i32_1 = arith.constant 0 : i32
    return %c0_i32, %c0_i32_0 : i32, i32
  }
  func.func @transform_2(%arg0: i32) -> (i32, i32) {
    %c0_i32 = arith.constant 0 : i32
    %c0_i32_0 = arith.constant 0 : i32
    %c0_i32_1 = arith.constant 0 : i32
    return %c0_i32, %c0_i32_0 : i32, i32
  }
  func.func @transform_3(%arg0: i32) -> (i32, i32) {
    %c0_i32 = arith.constant 0 : i32
    %c0_i32_0 = arith.constant 0 : i32
    %c0_i32_1 = arith.constant 0 : i32
    return %c0_i32, %c0_i32_0 : i32, i32
  }
  func.func @transform_4(%arg0: i32) -> (i32, i32) {
    %c0_i32 = arith.constant 0 : i32
    %c0_i32_0 = arith.constant 0 : i32
    %c0_i32_1 = arith.constant 0 : i32
    return %c0_i32, %c0_i32_0 : i32, i32
  }
  func.func @transform_5(%arg0: i32) -> (i32, i32) {
    %c0_i32 = arith.constant 0 : i32
    %c0_i32_0 = arith.constant 0 : i32
    return %arg0, %c0_i32 : i32, i32
  }
  func.func @transform_6(%arg0: i32) -> (i32, i32) {
    %c0_i32 = arith.constant 0 : i32
    %c0_i32_0 = arith.constant 0 : i32
    return %arg0, %c0_i32 : i32, i32
  }
}

</mosaic_0001>

<sc_bundles>
// kernel: kernel.4.cloned.1.call-start
scs
__scs_entry_jumppad:
0x0: {  	(pc) =	sbr.rel $0x88, $3  }
0x1: {  	(tag) =	ssettag $0x0;
	lr =	simm.s32 $0x1  }
0x2: {  	[smem:$0x3F9B] =	sst lr;
	_ =	strace $0xD0000000  }
0x3: {  	_ = 	snop  }
0x4: {  	_ = 	snop  }
0x5: {  	_ = 	snop  }
0x6: {  	_ = 	snop  }
0x7: {  	_ = 	snop  }
__scs_overlays_trampoline_lowered:
0x8: {  	[smem:$0x3FAA] =	sst s0  }
0x9: {  	[smem:$0x3FAB] =	sst s1  }
0xa: {  	[smem:$0x3FAC] =	sst s2  }
0xb: {  	[smem:$0x3FAD] =	sst s3  }
0xc: {  	[smem:$0x3FAE] =	sst s4  }
0xd: {  	[smem:$0x3FAF] =	sst s5  }
0xe: {  	[smem:$0x3FB0] =	sst s6  }
0xf: {  	[smem:$0x3FB1] =	sst s7  }
0x10: {  	[smem:$0x3FB2] =	sst s8  }
0x11: {  	[smem:$0x3FB3] =	sst s9;
	s0 =	simm.s32 @!p0 $0x0  }
0x12: {  	s1 =	sld [smem:$0x3F99];
	s0 =	simm.s32 @p0 $0x1  }
0x13: {  	[smem:$0x3FB4] =	sst s0;
	s0 =	simm.s32 @!p1 $0x0  }
0x14: {  	s2 =	sld [smem:$0x3F98];
	s0 =	simm.s32 @p1 $0x1  }
0x15: {  	[smem:$0x3FB5] =	sst s0;
	s0 =	simm.s32 @!p2 $0x0  }
0x16: {  	s3 =	sld [smem:$0x3FDB];
	s0 =	simm.s32 @p2 $0x1  }
0x17: {  	s4 =	simm.s32 $0x1BF5;
	[smem:$0x3FB7] =	sst s0  }
0x18: {  	s0 =	sld [smem:$0x3F9A];
	_ =	swait.ge [sflag:s4], $0x0  }
0x19: {  	s7 =	sld [smem:$0x3F9B]  }
0x1a: {  	s8 =	sadd.s32 $0xFFFFE003, lr  }
0x1b: {  	s9 =	sadd.s32 $0xFFFFFEF7, lr;
	s5 =	simm.s32 $0xFFFFFFFF;
	p2 =	slt.u32 s8, $0xFFFFF086  }
0x1c: {  	p1 =	slt.u32 s9, $0xF7A;
	s5 =	simm.s32 @!p2 $0x0  }
0x1d: {  	s5 =	simm.s32 @p1 $0x1;
	p0 =	seq.s32 s7, s2  }
0x1e: {  	s7 =	smul.u32 @!p0 $0xF7A, s2;
	p2 =	seq.s32 @!p0 s5, $0x0  }
0x1f: {  	s9 =	smul.u32 $0xF7A, s1;
	s8 =	simm.s32 @!p0 $0x1BF5;
	p2 =	por !p2, p0  }
0x20: {  	[sflag:s8] =	ssyncset.s32 @!p0 $0xFFFFF086;
	s6 =	sadd.s32 @!p0 s3, s7;
	s7 =	simm.s32 @!p0 $0x108  }
0x21: {  	s3 =	sadd.s32 s3, s9;
	s6 =	sadd.s32 @!p0 $0x88, s6;
	s7 =	simm.s32 @p2 $0x1082  }
0x22: {  	[simem:s7], [sflag:s8] =	dma.local @!p0 [hbm:s6], $0xF7A  }
0x23: {  	s9 =	sor.u32 $0xD0000000, s2;
	s6 =	simm.s32 $0x108;
	_ =	swait.ge @!p0 [sflag:s8], $0x0  }
0x24: {  	s3 =	sadd.s32 $0x88, s3;
	s6 =	simm.s32 @!p1 $0x1082;
	[sflag:s4] =	ssyncset.s32 $0xFFFFF086  }
0x25: {  	[simem:s6], [sflag:s4] =	dma.local [hbm:s3], $0xF7A  }
0x26: {  	[smem:$0x3F9B] =	sst s1;
	(tag) =	ssettag s2;
	_ =	strace s9  }
0x27: {  	s1 =	sld [smem:$0x3FAB]  }
0x28: {  	s2 =	sld [smem:$0x3FAC]  }
0x29: {  	s4 =	sld [smem:$0x3FAE]  }
0x2a: {  	p0 =	seq.s32 s5, $0x0;
	s5 =	sld [smem:$0x3FAF]  }
0x2b: {  	s6 =	sld [smem:$0x3FB0]  }
0x2c: {  	s7 =	sld [smem:$0x3FB1]  }
0x2d: {  	s3 =	simm.s32 $0x108;
	s8 =	sld [smem:$0x3FB2]  }
0x2e: {  	s3 =	simm.s32 @!p0 $0x1082;
	s9 =	sld [smem:$0x3FB3]  }
0x2f: {  	lr =	sadd.s32 s0, s3;
	s0 =	sld [smem:$0x3FAA]  }
0x30: {  	s3 =	sld [smem:$0x3FAD]  }
0x31: {  	[smem:$0x3FB6] =	sst s10  }
0x32: {  	s10 =	sld [smem:$0x3FB4];
	_ =	sdelay $0x3  }
0x33: {  	p0 =	seq.s32 s10, $0x1;
	s10 =	sld [smem:$0x3FB6];
	_ =	sdelay $0x3  }
0x34: {  	[smem:$0x3FB6] =	sst s10  }
0x35: {  	s10 =	sld [smem:$0x3FB5];
	_ =	sdelay $0x3  }
0x36: {  	p1 =	seq.s32 s10, $0x1;
	s10 =	sld [smem:$0x3FB6];
	_ =	sdelay $0x3  }
0x37: {  	[smem:$0x3FB6] =	sst s10  }
0x38: {  	s10 =	sld [smem:$0x3FB7]  }
0x39: {  	_ = 	snop;
	(pc) =	sbr.ind lr, $3  }
0x3a: {  	_ = 	snop  }
0x3b: {  	_ = 	snop  }
0x3c: {  	p2 =	seq.s32 s10, $0x1;
	s10 =	sld [smem:$0x3FB6]  }
0x3d: {  	_ =	shalt  }
0x3e: {  	_ =	shalt  }
0x3f: {  	_ =	shalt  }
0x40: {  	_ =	shalt  }
0x41: {  	_ =	shalt  }
0x42: {  	_ =	shalt  }
0x43: {  	_ =	shalt  }
0x44: {  	_ =	shalt  }
0x45: {  	_ =	shalt  }
0x46: {  	_ =	shalt  }
0x47: {  	_ =	shalt  }
0x48: {  	_ =	shalt  }
0x49: {  	_ =	shalt  }
0x4a: {  	_ =	shalt  }
0x4b: {  	_ =	shalt  }
0x4c: {  	_ =	shalt  }
0x4d: {  	_ =	shalt  }
0x4e: {  	_ =	shalt  }
0x4f: {  	_ =	shalt  }
0x50: {  	_ =	shalt  }
0x51: {  	_ =	shalt  }
0x52: {  	_ =	shalt  }
0x53: {  	_ =	shalt  }
0x54: {  	_ =	shalt  }
0x55: {  	_ =	shalt  }
0x56: {  	_ =	shalt  }
0x57: {  	_ =	shalt  }
0x58: {  	_ =	shalt  }
0x59: {  	_ =	shalt  }
0x5a: {  	_ =	shalt  }
0x5b: {  	_ =	shalt  }
0x5c: {  	_ =	shalt  }
0x5d: {  	_ =	shalt  }
0x5e: {  	_ =	shalt  }
0x5f: {  	_ =	shalt  }
0x60: {  	_ =	shalt  }
0x61: {  	_ =	shalt  }
0x62: {  	_ =	shalt  }
0x63: {  	_ =	shalt  }
0x64: {  	_ =	shalt  }
0x65: {  	_ =	shalt  }
0x66: {  	_ =	shalt  }
0x67: {  	_ =	shalt  }
0x68: {  	_ =	shalt  }
0x69: {  	_ =	shalt  }
0x6a: {  	_ =	shalt  }
0x6b: {  	_ =	shalt  }
0x6c: {  	_ =	shalt  }
0x6d: {  	_ =	shalt  }
0x6e: {  	_ =	shalt  }
0x6f: {  	_ =	shalt  }
0x70: {  	_ =	shalt  }
0x71: {  	_ =	shalt  }
0x72: {  	_ =	shalt  }
0x73: {  	_ =	shalt  }
0x74: {  	_ =	shalt  }
0x75: {  	_ =	shalt  }
0x76: {  	_ =	shalt  }
0x77: {  	_ =	shalt  }
0x78: {  	_ =	shalt  }
0x79: {  	_ =	shalt  }
0x7a: {  	_ =	shalt  }
0x7b: {  	_ =	shalt  }
0x7c: {  	_ =	shalt  }
0x7d: {  	_ =	shalt  }
0x7e: {  	_ =	shalt  }
0x7f: {  	_ =	shalt  }
0x80: {  	_ =	shalt  }
0x81: {  	_ =	shalt  }
0x82: {  	_ =	shalt  }
0x83: {  	_ =	shalt  }
0x84: {  	_ =	shalt  }
0x85: {  	_ =	shalt  }
0x86: {  	_ =	shalt  }
0x87: {  	_ =	shalt  }
.Lfunc_end0:
.L_simem_size_0:
called_computation_lowered:
.L_overlay_start_0:
0x88: {  	s2 =	sld [smem:$0x3FD9]  }
0x89: {  	s3 =	sld [smem:$0x3FFE];
	_ =	sdelay $0x1  }
0x8a: {  	s1 =	srdreg.scid  }
0x8b: {  	s0 =	sand.u32 $0x1, s1  }
0x8c: {  	s14 =	sshll.u32 s0, $0xA;
	s2 =	sadd.s32 s3, s2  }
0x8d: {  	s2 =	sadd.s32 s2, s14  }
0x8e: {  	[smem:$0x3FC2] =	sst s2  }
0x8f: {  	_ = 	snop  }
0x90: {  	s2 =	sld [smem:$0x3FD0];
	_ =	sdelay $0x2  }
0x91: {  	s4 =	simm.s32 $0xA;
	s5 =	simm.s32 $0x10;
	s15 =	sld [smem:$0x3FC8]  }
0x92: {  	[smem:s5], [sflag:s4] =	dma.local [hbm:s2], $0x1  }
0x93: {  	_ =	swait.eq [sflag:s4], $0x1  }
0x94: {  	[sflag:s4] =	ssyncset.done $0x0  }
0x95: {  	s16 =	sld [smem:$0x10];
	[sflag:s4] =	ssyncadd.s32 $0xFFFFFFFF  }
0x96: {  	s17 =	sld [smem:$0x11];
	(tm) =	ssettm $0x1  }
0x97: {  	s18 =	sld [smem:$0x3FFB];
	_ =	sdelay $0x3  }
0x98: {  	_ =	strace s18  }
0x99: {  	s5 =	sld [smem:$0x3FFC];
	_ =	sdelay $0x3  }
0x9a: {  	_ =	strace s5  }
0x9b: {  	s5 =	sld [smem:$0x3FFD];
	_ =	sdelay $0x3  }
0x9c: {  	_ =	strace s5  }
0x9d: {  	_ =	strace $0x8FFFFFFF  }
0x9e: {  	s19 =	sld [smem:$0x3FDB];
	_ =	sdelay $0x1  }
0x9f: {  	s6 =	simm.s32 $_scs_section_size  }
0xa0: {  	s7 =	simm.s32 $_size__tile_overlayer_lowered;
	s8 =	simm.s32 $_tile_overlayer_lowered  }
0xa1: {  	s22 =	simm.s32 $0x1BFF;
	s21 =	sshll.u32 s8, $0x1;
	s5 =	sadd.s32 s6, s19  }
0xa2: {  	s9 =	simm.s32 $0x0;
	s20 =	sshll.u32 s7, $0x1;
	s7 =	sadd.s32 s21, s5  }
0xa3: {  	[timem:s9], [sflag:s22] =	dma.local [hbm:s7], s20  }
0xa4: {  	_ =	swait.ge [sflag:s22], s20  }
0xa5: {  	s6 =	ssub.s32 $0x0, s20;
	[sflag:s22] =	ssyncset.done $0x0  }
0xa6: {  	[sflag:s22] =	ssyncadd.s32 s6;
	_ =	sdelay $0x1  }
0xa7: {  	s23 =	simm.s32 $0x1B8B  }
0xa8: {  	_ =	swait.ge [sflag:s23], $0x1  }
0xa9: {  	[sflag:s23] =	ssyncset.done $0x0  }
0xaa: {  	s25 =	simm.s32 $0x1B8E;
	s24 =	sld [smem:$0x3FFE];
	[sflag:s23] =	ssyncadd.s32 $0xFFFFFFFF  }
0xab: {  	s26 =	simm.s32 $execute0_lowered;
	[smem:$0x3FD2] =	sst s25  }
0xac: {  	s7 =	sshll.u32 s26, $0x1;
	_ =	strace $0x80000046;
	[dreg:$0x1] =	wrdreg $0xFFFFFFFF  }
0xad: {  	s28 =	simm.s32 $_size_execute0_lowered;
	s5 =	sadd.s32 s5, s7;
	[dreg:$0x0] =	wrdreg $0x0  }
0xae: {  	s7 =	sshll.u32 s28, $0x1;
	[dreg:$0x2] =	wrdreg s5  }
0xaf: {  	[dreg:$0x3] =	wrdreg s7  }
0xb0: {  	[dreg:$0x4] =	wrdreg $0xC0  }
0xb1: {  	_ =	task [dreg:s9], $0x5FFFF  }
0xb2: {  	[dreg:$0x1] =	wrdreg $0xFFFFFFFF  }
0xb3: {  	[dreg:$0x0] =	wrdreg $0x60  }
0xb4: {  	[dreg:$0x2] =	wrdreg s24  }
0xb5: {  	[dreg:$0x3] =	wrdreg s15  }
0xb6: {  	[dreg:$0x4] =	wrdreg s16  }
0xb7: {  	[dreg:$0x5] =	wrdreg s17  }
0xb8: {  	[dreg:$0x6] =	wrdreg $0x9  }
0xb9: {  	_ =	task.clear_ibuf [dreg:s9], $0x7FFFF;
	_ =	strace $0x90000046  }
0xba: {  	s29 =	simm.s32 $0x9;
	_ =	strace $0x80000048  }
0xbb: {  	_ =	swait.ge [sflag:s29], $0x1  }
0xbc: {  	[sflag:s29] =	ssyncadd.s32 $0xFFFFFFFF  }
0xbd: {  	_ =	strace $0x90000048  }
0xbe: {  	_ =	sfence  }
0xbf: {  	s30 =	sld [smem:$0x0];
	_ =	sdelay $0x2  }
0xc0: {  	s31 =	sshll.u32 s1, $0xD;
	s1 =	sshrl.u32 s1, $0x2  }
0xc1: {  	s3 =	sand.u32 $0x4000, s31;
	s1 =	sadd.s32 s1, s30  }
0xc2: {  	s0 =	sor.u32 s3, s0;
	s1 =	sshll.u32 s1, $0x11  }
0xc3: {  	s0 =	sor.u32 s1, s0  }
0xc4: {  	s0 =	sadd.s32 $0x8F2B, s0  }
0xc5: {  	[sflag:s0] =	ssyncadd.remote.s32 $0x1  }
0xc6: {  	_ =	sfence.sel $0xFFFF  }
0xc7: {  	[dreg:$0x0] =	wrdreg $0xFFFFFFFF;
	(pc) =	sbr.abs _section_cstart, $3  }
0xc8: {  	[dreg:$0x1] =	wrdreg $0xFFFFFFFF  }
0xc9: {  	_ =	task.clear_ibuf [dreg:s9], $0x2FFFF;
	_ =	strace $0x9FFFFFFF  }
0xca: {  	(tm) =	ssettm $0x7FFFFFFF  }
0xcb: {  	_ =	shalt  }
tec
execute0_lowered:
.L_overlay_start_1:
0x0: {  	(tag) =	ssettag $0x1  }
0x1: {  	s9 =	rddreg [dreg:$0x0]  }
0x2: {  	s3 =	rddreg [dreg:$0x1];
	s1 =	srdreg.scid  }
0x3: {  	s5 =	rddreg [dreg:$0x2];
	s0 =	stileid.u32;
	s13 =	sand.u32 $0x1, s1  }
0x4: {  	s7 =	rddreg [dreg:$0x3];
	s4 =	sshll.u32 s0, $0x8;
	s6 =	sshll.u32 s13, $0x7  }
0x5: {  	s2 =	simm.s32 $0x0;
	s1 =	rddreg [dreg:$0x4];
	s10 =	sor.u32 s6, s4  }
0x6: {  	[smem:$0x7FF] =	sst s2;
	s8 =	sshrl.u32 s10, $0x3  }
0x7: {  	_ =	strace $0x80000047;
	s4 =	sadd.s32 s3, s8;
	s3 =	simm.s32 $0x2  }
0x8: {  	[tilespmem:s2], [sflag:$0x2] =	stream.linear.gather [hbm4b:s4+s2], $0x80, $0x38;
	[tilespmem:$0x280] =	vst v63  }
0x9: {  	_ =	swait.ge [sflag:s3], $0x80  }
0xa: {  	[sflag:s3] =	ssyncset.done $0x0  }
0xb: {  	s6 =	simm.s32 $0x100;
	s5 =	sadd.s32 s5, s8;
	[sflag:s3] =	ssyncadd.s32 $0xFFFFFF80  }
0xc: {  	[tilespmem:s6], [sflag:$0x2] =	stream.linear.gather [hbm4b:s5+s2], $0x80, $0x38;
	[tilespmem:$0x280] =	vst v63  }
0xd: {  	v2 =	vlaneseq.u32;
	s11 =	sor.u32 $0x10, s10;
	v0 =	vmov s10;
	_ =	swait.ge [sflag:s3], $0x80  }
0xe: {  	v7 =	vmul.u32 $0x3E8, v2;
	s28 =	sor.u32 $0x70, s10;
	s12 =	sor.u32 $0x60, s10;
	v0 =	vmul.u32 $0x3E8, v0;
	[sflag:s3] =	ssyncset.done $0x0  }
0xf: {  	s29 =	sor.u32 $0x20, s10;
	s30 =	sor.u32 $0x40, s10;
	v1 =	vmov s11;
	v2 =	vmov s28;
	v3 =	vmov s12;
	[sflag:s3] =	ssyncadd.s32 $0xFFFFFF80  }
0x10: {  	s31 =	sor.u32 $0x30, s10;
	s10 =	sor.u32 $0x50, s10;
	v6 =	vmov s29;
	v9 =	vmov s30;
	v2 =	vmul.u32 $0x3E8, v2;
	v4 =	vld [tilespmem:$0x70]  }
0x11: {  	v11 =	vmov s31;
	v13 =	vmov s10;
	v3 =	vmul.u32 $0x3E8, v3;
	v5 =	vld [tilespmem:$0x60]  }
0x12: {  	v1 =	vmul.u32 $0x3E8, v1;
	v6 =	vmul.u32 $0x3E8, v6;
	v2 =	vbroadcast v2, $0x0;
	v8 =	vld [tilespmem:$0x10]  }
0x13: {  	v9 =	vmul.u32 $0x3E8, v9;
	v13 =	vmul.u32 $0x3E8, v13;
	v3 =	vbroadcast v3, $0x0;
	v10 =	vld [tilespmem:$0x0]  }
0x14: {  	v11 =	vmul.u32 $0x3E8, v11;
	v1 =	vbroadcast v1, $0x0;
	v2 =	vadd.s32 v7, v2;
	v12 =	vld [tilespmem:$0x40]  }
0x15: {  	v0 =	vbroadcast v0, $0x0;
	v3 =	vadd.s32 v7, v3;
	v14 =	vld [tilespmem:$0x20];
	v4 =	vadd.s32 v4, v2  }
0x16: {  	v9 =	vbroadcast v9, $0x0;
	v1 =	vadd.s32 v7, v1;
	v15 =	vld [tilespmem:$0x50];
	v5 =	vadd.s32 v5, v3;
	[tilespmem:$0xF0] =	vst v4  }
0x17: {  	v6 =	vbroadcast v6, $0x0;
	v0 =	vadd.s32 v7, v0;
	v16 =	vld [tilespmem:$0x30];
	[tilespmem:$0xE0] =	vst v5;
	v5 =	vadd.s32 v8, v1  }
0x18: {  	v4 =	vadd.s32 v7, v9;
	v8 =	vbroadcast v13, $0x0;
	v9 =	vadd.s32 v10, v0;
	[tilespmem:$0x90] =	vst v5  }
0x19: {  	v10 =	vbroadcast v11, $0x0;
	v5 =	vadd.s32 v7, v6;
	[tilespmem:$0x80] =	vst v9;
	v9 =	vadd.s32 v12, v4  }
0x1a: {  	s13 =	ssub.s32 $0x2, s13;
	v6 =	vadd.s32 v7, v8;
	v8 =	vadd.s32 v14, v5;
	[tilespmem:$0xC0] =	vst v9  }
0x1b: {  	s14 =	sshrl.u32 s13, $0x1;
	v7 =	vadd.s32 v7, v10;
	[tilespmem:$0xA0] =	vst v8;
	v8 =	vadd.s32 v15, v6  }
0x1c: {  	s9 =	sadd.s32 $0x81000, s9;
	s13 =	ssub.s32 s13, s14;
	s10 =	simm.s32 $0x80;
	v9 =	vadd.s32 v16, v7;
	[tilespmem:$0xD0] =	vst v8  }
0x1d: {  	s11 =	simm.s32 $0x180;
	s12 =	simm.s32 $0x1;
	s13 =	smax.u32 s13, $0x1;
	[tilespmem:$0xB0] =	vst v9  }
0x1e: {  	[tilespmem:s11], [sflag:$0x1] =	stream.indirect.gather [hbm4b:s9+s10], $0x1, s10, s10, $0xb8;
	[tilespmem:$0x280] =	vst v63  }
0x1f: {  	p0 =	sne.s32 s13, $0x1;
	_ =	swait.ge [sflag:s12], $0x80  }
.Ltmp0:
0x20: {  	[sflag:s12] =	ssyncset.done $0x0;
	(pc) =	sbr.rel @!p0 .LBB2_2-.Ltmp0, $4  }
0x21: {  	[sflag:s12] =	ssyncadd.s32 $0xFFFFFF80  }
0x22: {  	v8 =	vld [tilespmem:$0x170]  }
0x23: {  	v10 =	vld [tilespmem:$0x1F0]  }
0x24: {  	s7 =	sadd.s32 s7, s8;
	s8 =	simm.s32 $0x200;
	s13 =	sadd.s32 $0xFFFFFFFF, s13;
	v9 =	vld [tilespmem:$0x160]  }
.LBB2_1:
0x25: {  	p0 =	sne.s32 s13, $0x1;
	s13 =	sadd.s32 $0xFFFFFFFF, s13;
	v11 =	vld [tilespmem:$0x1E0]  }
0x26: {  	v12 =	vld [tilespmem:$0x1B0]  }
0x27: {  	v13 =	vld [tilespmem:$0x120]  }
0x28: {  	v14 =	vld [tilespmem:$0x150];
	v8 =	vsub.f32 v10, v8  }
0x29: {  	v10 =	vld [tilespmem:$0x110]  }
0x2a: {  	v15 =	vld [tilespmem:$0x1D0];
	v9 =	vsub.f32 v11, v9;
	[tilespmem:$0x270] =	vst v8  }
0x2b: {  	v8 =	vld [tilespmem:$0x140]  }
0x2c: {  	v11 =	vld [tilespmem:$0x130];
	[tilespmem:$0x260] =	vst v9  }
0x2d: {  	v9 =	vld [tilespmem:$0x1C0]  }
0x2e: {  	v16 =	vld [tilespmem:$0x1A0]  }
0x2f: {  	v17 =	vld [tilespmem:$0x180];
	v14 =	vsub.f32 v15, v14  }
0x30: {  	v15 =	vld [tilespmem:$0x100]  }
0x31: {  	v18 =	vld [tilespmem:$0x190];
	v11 =	vsub.f32 v12, v11;
	[tilespmem:$0x250] =	vst v14  }
0x32: {  	v8 =	vsub.f32 v9, v8  }
0x33: {  	v9 =	vsub.f32 v16, v13;
	[tilespmem:$0x230] =	vst v11  }
0x34: {  	[tilespmem:$0x240] =	vst v8  }
0x35: {  	v8 =	vsub.f32 v17, v15;
	[tilespmem:$0x220] =	vst v9  }
0x36: {  	v9 =	vsub.f32 v18, v10  }
0x37: {  	[tilespmem:$0x200] =	vst v8  }
0x38: {  	[tilespmem:$0x210] =	vst v9  }
0x39: {  	[hbm4b:s7+s2] =	stream.linear.scatter [tilespmem:s8], [sflag:$0x2], $0x80, $0x38;
	[tilespmem:$0x280] =	vst v63  }
0x3a: {  	_ =	swait.ge [sflag:s3], $0x80  }
0x3b: {  	[sflag:s3] =	ssyncset.done $0x0  }
0x3c: {  	[sflag:s3] =	ssyncadd.s32 $0xFFFFFF80  }
0x3d: {  	[tilespmem:s2], [sflag:$0x2] =	stream.linear.gather [hbm4b:s4+s2], $0x80, $0x38;
	[tilespmem:$0x280] =	vst v63  }
0x3e: {  	_ =	swait.ge [sflag:s3], $0x80  }
0x3f: {  	[sflag:s3] =	ssyncset.done $0x0  }
0x40: {  	[sflag:s3] =	ssyncadd.s32 $0xFFFFFF80  }
0x41: {  	[tilespmem:s6], [sflag:$0x2] =	stream.linear.gather [hbm4b:s5+s2], $0x80, $0x38;
	[tilespmem:$0x280] =	vst v63  }
0x42: {  	_ =	swait.ge [sflag:s3], $0x80  }
0x43: {  	[sflag:s3] =	ssyncset.done $0x0  }
0x44: {  	[sflag:s3] =	ssyncadd.s32 $0xFFFFFF80  }
0x45: {  	v8 =	vld [tilespmem:$0x70]  }
0x46: {  	v9 =	vld [tilespmem:$0x60]  }
0x47: {  	v10 =	vld [tilespmem:$0x20]  }
0x48: {  	v11 =	vld [tilespmem:$0x10]  }
0x49: {  	v12 =	vld [tilespmem:$0x0]  }
0x4a: {  	v13 =	vld [tilespmem:$0x40];
	v8 =	vadd.s32 v8, v2  }
0x4b: {  	v14 =	vld [tilespmem:$0x30];
	v9 =	vadd.s32 v9, v3;
	[tilespmem:$0xF0] =	vst v8  }
0x4c: {  	v8 =	vld [tilespmem:$0x50];
	[tilespmem:$0xE0] =	vst v9  }
0x4d: {  	v9 =	vadd.s32 v11, v1  }
0x4e: {  	v11 =	vadd.s32 v12, v0;
	[tilespmem:$0x90] =	vst v9  }
0x4f: {  	v9 =	vadd.s32 v10, v5;
	[tilespmem:$0x80] =	vst v11;
	v10 =	vadd.s32 v13, v4  }
0x50: {  	v11 =	vadd.s32 v14, v7;
	[tilespmem:$0xC0] =	vst v10  }
0x51: {  	[tilespmem:$0xA0] =	vst v9;
	v8 =	vadd.s32 v8, v6  }
0x52: {  	[tilespmem:$0xD0] =	vst v8  }
0x53: {  	[tilespmem:$0xB0] =	vst v11  }
0x54: {  	[tilespmem:s11], [sflag:$0x1] =	stream.indirect.gather [hbm4b:s9+s10], $0x1, s10, s10, $0xb8;
	[tilespmem:$0x280] =	vst v63  }
0x55: {  	_ =	swait.ge [sflag:s12], $0x80  }
.Ltmp1:
0x56: {  	[sflag:s12] =	ssyncset.done $0x0;
	(pc) =	sbr.rel @p0 .LBB2_1-.Ltmp1, $4  }
0x57: {  	[sflag:s12] =	ssyncadd.s32 $0xFFFFFF80  }
0x58: {  	v8 =	vld [tilespmem:$0x170]  }
0x59: {  	v10 =	vld [tilespmem:$0x1F0]  }
0x5a: {  	v9 =	vld [tilespmem:$0x160]  }
.LBB2_2:
0x5b: {  	v0 =	vld [tilespmem:$0x1E0]  }
0x5c: {  	v1 =	vld [tilespmem:$0x1B0]  }
0x5d: {  	v2 =	vld [tilespmem:$0x120]  }
0x5e: {  	v3 =	vld [tilespmem:$0x150]  }
0x5f: {  	v4 =	vld [tilespmem:$0x110]  }
0x60: {  	v5 =	vld [tilespmem:$0x1D0]  }
0x61: {  	v6 =	vld [tilespmem:$0x140]  }
0x62: {  	v7 =	vld [tilespmem:$0x130]  }
0x63: {  	v11 =	vld [tilespmem:$0x1C0]  }
0x64: {  	v12 =	vld [tilespmem:$0x1A0]  }
0x65: {  	v57 =	vld [tilespmem:$0x180];
	v8 =	vsub.f32 v10, v8  }
0x66: {  	v58 =	vld [tilespmem:$0x100];
	v0 =	vsub.f32 v0, v9  }
0x67: {  	v59 =	vld [tilespmem:$0x190];
	[tilespmem:$0x270] =	vst v8;
	v3 =	vsub.f32 v5, v3  }
0x68: {  	v60 =	vsub.f32 v1, v7;
	[tilespmem:$0x260] =	vst v0  }
0x69: {  	v61 =	vsub.f32 v11, v6;
	[tilespmem:$0x250] =	vst v3  }
0x6a: {  	v2 =	vsub.f32 v12, v2;
	[tilespmem:$0x230] =	vst v60  }
0x6b: {  	v62 =	vsub.f32 v57, v58;
	[tilespmem:$0x240] =	vst v61  }
0x6c: {  	v63 =	vsub.f32 v59, v4;
	[tilespmem:$0x220] =	vst v2  }
0x6d: {  	[tilespmem:$0x200] =	vst v62  }
0x6e: {  	[tilespmem:$0x210] =	vst v63  }
0x6f: {  	[hbm4b:s7+s2] =	stream.linear.scatter [tilespmem:s8], [sflag:$0x2], $0x80, $0x38;
	[tilespmem:$0x280] =	vst v63  }
0x70: {  	_ =	swait.ge [sflag:s3], $0x80  }
0x71: {  	[sflag:s3] =	ssyncset.done $0x0  }
0x72: {  	[sflag:s3] =	ssyncadd.s32 $0xFFFFFF80  }
0x73: {  	_ =	sfence.sel $0x180000  }
0x74: {  	[bflag:$0x0] =	sbarrier.arrive $0xFFFF  }
0x75: {  	p0 =	sne.s32 s0, $0x0;
	_ =	strace $0x90000047  }
0x76: {  	s0 =	sadd.s32 @!p0 $0x100000, s1;
	[bflag:$0x2] =	sbarrier.arrive $0xFFFF  }
0x77: {  	[sflag:s0] =	ssyncadd.tile.s32 @!p0 $0x1;
	_ =	shalt  }
.Lfunc_end2:
_tile_overlayer_lowered:
.L_overlay_start_2:
0x78: {  	(tag) =	ssettag $0x2  }
0x79: {  	s0 =	rddreg [dreg:$0x0];
	s2 =	stileid.u32  }
0x7a: {  	s1 =	rddreg [dreg:$0x1];
	p0 =	sne.s32 s2, $0x0  }
0x7b: {  	s3 =	rddreg [dreg:$0x2];
	[bflag:$0x3] =	sbarrier.arrive $0xFFFF;
	s2 =	simm.s32 @!p0 $0x1C02  }
0x7c: {  	[timem:s3], [sflag:s2] =	dma.local @!p0 [hbm:s0], s1  }
0x7d: {  	s0 =	simm.s32 @!p0 $0x2  }
0x7e: {  	_ =	swait.ge @!p0 [sflag:s0], s1  }
0x7f: {  	s1 =	ssub.s32 @!p0 $0x0, s1;
	[sflag:s0] =	ssyncset.done @!p0 $0x0  }
0x80: {  	[sflag:s0] =	ssyncadd.s32 @!p0 s1  }
0x81: {  	[bflag:$0x3] =	sbarrier.arrive $0xFFFF  }
0x82: {  	_ =	shalt  }

</sc_bundles>
